<compile_context>
chip_gen: v7x
topology: tpu7x:2x2x1
jax: 0.10.2.dev20260603
libtpu: 0.0.44.dev20260713+nightly
codegen_flags: <defaults>
</compile_context>

<pallas_src>
import functools

import jax
import jax.numpy as jnp
from jax import lax
from jax.experimental import pallas as pl
from jax.experimental.pallas import tpu as pltpu
from jax.experimental.pallas import tpu_sc as plsc

EPS = 1e-5



def _norm_body(tab_ref, gamma_ref, beta_ref, out_ref):
    xv = tab_ref[...]
    mean = jnp.mean(xv, axis=-1, keepdims=True)
    xc = xv - mean
    var = jnp.mean(xc * xc, axis=-1, keepdims=True)
    out_ref[...] = xc * lax.rsqrt(var + EPS) * gamma_ref[...] + beta_ref[...]


def _normalize_table(table, gamma, beta):
    V, D = table.shape
    R = 5000
    assert V % R == 0
    return pl.pallas_call(
        _norm_body,
        grid=(V // R,),
        in_specs=[
            pl.BlockSpec((R, D), lambda i: (i, 0)),
            pl.BlockSpec((1, D), lambda i: (0, 0)),
            pl.BlockSpec((1, D), lambda i: (0, 0)),
        ],
        out_specs=pl.BlockSpec((R, D), lambda i: (i, 0)),
        out_shape=jax.ShapeDtypeStruct((V, D), jnp.float32),
    )(table, gamma.reshape(1, D), beta.reshape(1, D))



@functools.lru_cache(maxsize=None)
def _make_gather(V, D, N):
    info = plsc.get_sparse_core_info()
    NC, NS = info.num_cores, info.num_subcores
    NW = NC * NS
    assert N % NW == 0
    per_w = N // NW
    C = 160
    NBUF = 5
    assert per_w % (NBUF * C) == 0
    n_outer = per_w // (NBUF * C)
    mesh = plsc.VectorSubcoreMesh(core_axis_name="c", subcore_axis_name="s")

    @functools.partial(
        pl.kernel,
        mesh=mesh,
        out_type=jax.ShapeDtypeStruct((N, D), jnp.float32),
        scratch_types=[
            pltpu.VMEM((per_w,), jnp.int32),
        ] + [pltpu.VMEM((C, D), jnp.float32)] * NBUF
          + [pltpu.SemaphoreType.DMA] * (2 * NBUF),
    )
    def gather_k(tab_hbm, idx_hbm, out_hbm, idx_v, *bufs_and_sems):
        rows = bufs_and_sems[:NBUF]
        sgs = bufs_and_sems[NBUF:2 * NBUF]
        sws = bufs_and_sems[2 * NBUF:]
        wid = lax.axis_index("s") * NC + lax.axis_index("c")
        base = wid * per_w
        pltpu.sync_copy(idx_hbm.at[pl.ds(base, per_w)], idx_v)

        def issue_gather(i, b):
            pltpu.async_copy(
                tab_hbm.at[idx_v.at[pl.ds(i * C, C)]], rows[b], sgs[b])

        def wait_gather(b):
            pltpu.make_async_copy(
                tab_hbm.at[idx_v.at[pl.ds(0, C)]], rows[b], sgs[b]).wait()

        def issue_write(i, b):
            pltpu.async_copy(rows[b], out_hbm.at[pl.ds(base + i * C, C)], sws[b])

        def wait_write(b):
            pltpu.make_async_copy(rows[b], out_hbm.at[pl.ds(0, C)], sws[b]).wait()

        for b in range(NBUF):
            issue_gather(b, b)

        def body(t, carry):
            i0 = t * NBUF
            for b in range(NBUF):
                wait_gather(b)
                issue_write(i0 + b, b)
            for b in range(NBUF):
                wait_write(b)
                issue_gather(i0 + NBUF + b, b)
            return carry

        lax.fori_loop(0, n_outer - 1, body, 0)
        i0 = (n_outer - 1) * NBUF
        for b in range(NBUF):
            wait_gather(b)
            issue_write(i0 + b, b)
        for b in range(NBUF):
            wait_write(b)

    return gather_k


def kernel(x, table, gamma, beta):
    B, L = x.shape
    V, D = table.shape
    norm = _normalize_table(table, gamma, beta)
    flat = x.reshape(-1).astype(jnp.int32)
    out = _make_gather(V, D, B * L)(norm, flat)
    return out.reshape(B, L, D)

# --- scband reference (transcript-rebuilt; emitter-appended) ---
"""Pipeline reference for scband-batch-label-encoder-9869834846785 (READ-ONLY COPY).

The authoritative reference and input builder live on the scoring server;
editing this copy changes nothing except your own understanding.
"""

import jax, jax.numpy as jnp
import numpy as np

NUM_EMB = 100000
EMB_DIM = 128
EPS = 1e-5


def setup_inputs(seed: int = 0) -> dict:
    key = jax.random.key(seed)
    k1, k2 = jax.random.split(key, 2)
    x = jax.random.randint(k1, (4096, 200), 0, NUM_EMB)
    table = jax.random.normal(k2, (NUM_EMB, EMB_DIM), dtype=jnp.float32)
    gamma = jnp.ones((EMB_DIM,), dtype=jnp.float32)
    beta = jnp.zeros((EMB_DIM,), dtype=jnp.float32)
    return {"x": x, "table": table, "gamma": gamma, "beta": beta}


def reference(x, table, gamma, beta):
    # embedding lookup
    emb = jnp.take(table, x, axis=0)  # [B, L, D]
    # LayerNorm over last dim
    mean = jnp.mean(emb, axis=-1, keepdims=True)
    var = jnp.mean((emb - mean) ** 2, axis=-1, keepdims=True)
    normed = (emb - mean) / jnp.sqrt(var + EPS)
    return normed * gamma + beta

if __name__ == "__main__":
    import jax
    _d = setup_inputs()
    print(jax.jit(kernel)(*tuple(_d.values())))

</pallas_src>

<mosaic_0001>
#map = affine_map<(d0, d1) -> (0, 0)>
#map1 = affine_map<(d0, d1) -> (0)>
module attributes {stable_mosaic.version = 14 : i64} {
  func.func @gather_k(%arg0: i32, %arg1: i32, %arg2: memref<100000x128xf32, #tpu.memory_space<hbm>>, %arg3: memref<819200xi32, #tpu.memory_space<hbm>>, %arg4: memref<819200x128xf32, #tpu.memory_space<hbm>>, %arg5: memref<25600xi32, #tpu.memory_space<vmem>>, %arg6: memref<160x128xf32, #tpu.memory_space<vmem>>, %arg7: memref<160x128xf32, #tpu.memory_space<vmem>>, %arg8: memref<160x128xf32, #tpu.memory_space<vmem>>, %arg9: memref<160x128xf32, #tpu.memory_space<vmem>>, %arg10: memref<160x128xf32, #tpu.memory_space<vmem>>, %arg11: memref<!tpu.dma_semaphore, #tpu.memory_space<semaphore_mem>>, %arg12: memref<!tpu.dma_semaphore, #tpu.memory_space<semaphore_mem>>, %arg13: memref<!tpu.dma_semaphore, #tpu.memory_space<semaphore_mem>>, %arg14: memref<!tpu.dma_semaphore, #tpu.memory_space<semaphore_mem>>, %arg15: memref<!tpu.dma_semaphore, #tpu.memory_space<semaphore_mem>>, %arg16: memref<!tpu.dma_semaphore, #tpu.memory_space<semaphore_mem>>, %arg17: memref<!tpu.dma_semaphore, #tpu.memory_space<semaphore_mem>>, %arg18: memref<!tpu.dma_semaphore, #tpu.memory_space<semaphore_mem>>, %arg19: memref<!tpu.dma_semaphore, #tpu.memory_space<semaphore_mem>>, %arg20: memref<!tpu.dma_semaphore, #tpu.memory_space<semaphore_mem>>) attributes {dimension_semantics = [#tpu.dimension_semantics<core_parallel>, #tpu.dimension_semantics<subcore_parallel>], iteration_bounds = array<i64: 2, 16>, scalar_prefetch = 0 : i64, scratch_operands = 16 : i64, tpu.core_type = #tpu.core_type<sc_vector_subcore>, window_params = [{transform_indices = #map}, {transform_indices = #map1}, {transform_indices = #map}]} {
    %mul3A = arith.constant 2 : i32
    %mul3A_0 = arith.muli %arg1, %mul3A : i32
    %add3A = arith.addi %mul3A_0, %arg0 : i32
    %mul3A_1 = arith.constant 25600 : i32
    %mul3A_2 = arith.muli %add3A, %mul3A_1 : i32
    "tpu.region"() ({
      %run_scoped3A = tpu.sem_alloc : memref<!tpu.dma_semaphore, #tpu.memory_space<semaphore_mem>>
      %dma_start3A_116 = tpu.memref_slice %arg3[%mul3A_2] : memref<819200xi32, #tpu.memory_space<hbm>> -> memref<25600xi32, #tpu.memory_space<hbm>>
      %dma_start3A_117 = tpu.memref_slice %arg3[%mul3A_2] : memref<819200xi32, #tpu.memory_space<hbm>> -> memref<25600xi32, #tpu.memory_space<hbm>>
      tpu.enqueue_dma source(%dma_start3A_117 : memref<25600xi32, #tpu.memory_space<hbm>>) target(%arg5 : memref<25600xi32, #tpu.memory_space<vmem>>) target_semaphore(%run_scoped3A : memref<!tpu.dma_semaphore, #tpu.memory_space<semaphore_mem>>)
      %dma_wait3A_118 = tpu.memref_slice %arg3[%mul3A_2] : memref<819200xi32, #tpu.memory_space<hbm>> -> memref<25600xi32, #tpu.memory_space<hbm>>
      %dma_wait3A_119 = tpu.memref_slice %arg3[%mul3A_2] : memref<819200xi32, #tpu.memory_space<hbm>> -> memref<25600xi32, #tpu.memory_space<hbm>>
      tpu.wait_dma2 semaphore(%run_scoped3A : memref<!tpu.dma_semaphore, #tpu.memory_space<semaphore_mem>>) src(%dma_wait3A_119 : memref<25600xi32, #tpu.memory_space<hbm>>) dst(%arg5 : memref<25600xi32, #tpu.memory_space<vmem>>)
      tpu.yield
    }) : () -> ()
    %dma_start3A = arith.constant 0 : i32
    %dma_start3A_3 = tpu.memref_slice %arg5[%dma_start3A] : memref<25600xi32, #tpu.memory_space<vmem>> -> memref<160xi32, #tpu.memory_space<vmem>>
    %dma_start3A_4 = arith.constant 0 : i32
    %dma_start3A_5 = arith.constant 0 : i32
    %dma_start3A_6 = tpu.memref_slice %arg2[%dma_start3A_4, %dma_start3A_5] : memref<100000x128xf32, #tpu.memory_space<hbm>> -> memref<100000x128xf32, #tpu.memory_space<hbm>>
    tpu.enqueue_indirect_dma source(%dma_start3A_6 : memref<100000x128xf32, #tpu.memory_space<hbm>>) target(%arg6 : memref<160x128xf32, #tpu.memory_space<vmem>>) offsets(%dma_start3A_3 : memref<160xi32, #tpu.memory_space<vmem>>) semaphore(%arg11 : memref<!tpu.dma_semaphore, #tpu.memory_space<semaphore_mem>>)
    %dma_start3A_7 = arith.constant 160 : i32
    %dma_start3A_8 = tpu.memref_slice %arg5[%dma_start3A_7] : memref<25600xi32, #tpu.memory_space<vmem>> -> memref<160xi32, #tpu.memory_space<vmem>>
    %dma_start3A_9 = arith.constant 0 : i32
    %dma_start3A_10 = arith.constant 0 : i32
    %dma_start3A_11 = tpu.memref_slice %arg2[%dma_start3A_9, %dma_start3A_10] : memref<100000x128xf32, #tpu.memory_space<hbm>> -> memref<100000x128xf32, #tpu.memory_space<hbm>>
    tpu.enqueue_indirect_dma source(%dma_start3A_11 : memref<100000x128xf32, #tpu.memory_space<hbm>>) target(%arg7 : memref<160x128xf32, #tpu.memory_space<vmem>>) offsets(%dma_start3A_8 : memref<160xi32, #tpu.memory_space<vmem>>) semaphore(%arg12 : memref<!tpu.dma_semaphore, #tpu.memory_space<semaphore_mem>>)
    %dma_start3A_12 = arith.constant 320 : i32
    %dma_start3A_13 = tpu.memref_slice %arg5[%dma_start3A_12] : memref<25600xi32, #tpu.memory_space<vmem>> -> memref<160xi32, #tpu.memory_space<vmem>>
    %dma_start3A_14 = arith.constant 0 : i32
    %dma_start3A_15 = arith.constant 0 : i32
    %dma_start3A_16 = tpu.memref_slice %arg2[%dma_start3A_14, %dma_start3A_15] : memref<100000x128xf32, #tpu.memory_space<hbm>> -> memref<100000x128xf32, #tpu.memory_space<hbm>>
    tpu.enqueue_indirect_dma source(%dma_start3A_16 : memref<100000x128xf32, #tpu.memory_space<hbm>>) target(%arg8 : memref<160x128xf32, #tpu.memory_space<vmem>>) offsets(%dma_start3A_13 : memref<160xi32, #tpu.memory_space<vmem>>) semaphore(%arg13 : memref<!tpu.dma_semaphore, #tpu.memory_space<semaphore_mem>>)
    %dma_start3A_17 = arith.constant 480 : i32
    %dma_start3A_18 = tpu.memref_slice %arg5[%dma_start3A_17] : memref<25600xi32, #tpu.memory_space<vmem>> -> memref<160xi32, #tpu.memory_space<vmem>>
    %dma_start3A_19 = arith.constant 0 : i32
    %dma_start3A_20 = arith.constant 0 : i32
    %dma_start3A_21 = tpu.memref_slice %arg2[%dma_start3A_19, %dma_start3A_20] : memref<100000x128xf32, #tpu.memory_space<hbm>> -> memref<100000x128xf32, #tpu.memory_space<hbm>>
    tpu.enqueue_indirect_dma source(%dma_start3A_21 : memref<100000x128xf32, #tpu.memory_space<hbm>>) target(%arg9 : memref<160x128xf32, #tpu.memory_space<vmem>>) offsets(%dma_start3A_18 : memref<160xi32, #tpu.memory_space<vmem>>) semaphore(%arg14 : memref<!tpu.dma_semaphore, #tpu.memory_space<semaphore_mem>>)
    %dma_start3A_22 = arith.constant 640 : i32
    %dma_start3A_23 = tpu.memref_slice %arg5[%dma_start3A_22] : memref<25600xi32, #tpu.memory_space<vmem>> -> memref<160xi32, #tpu.memory_space<vmem>>
    %dma_start3A_24 = arith.constant 0 : i32
    %dma_start3A_25 = arith.constant 0 : i32
    %dma_start3A_26 = tpu.memref_slice %arg2[%dma_start3A_24, %dma_start3A_25] : memref<100000x128xf32, #tpu.memory_space<hbm>> -> memref<100000x128xf32, #tpu.memory_space<hbm>>
    tpu.enqueue_indirect_dma source(%dma_start3A_26 : memref<100000x128xf32, #tpu.memory_space<hbm>>) target(%arg10 : memref<160x128xf32, #tpu.memory_space<vmem>>) offsets(%dma_start3A_23 : memref<160xi32, #tpu.memory_space<vmem>>) semaphore(%arg15 : memref<!tpu.dma_semaphore, #tpu.memory_space<semaphore_mem>>)
    %scan3A = arith.constant 0 : i32
    %scan3A_27 = arith.constant 0 : i32
    %scan3A_28 = arith.constant 31 : i32
    %scan3A_29 = arith.addi %scan3A_27, %scan3A_28 : i32
    %scan3A_30 = arith.constant 1 : i32
    scf.for %scan3A_116 = %scan3A_27 to %scan3A_29 step %scan3A_30  : i32 {
      %mul3A_117 = arith.constant 5 : i32
      %mul3A_118 = arith.muli %scan3A_116, %mul3A_117 : i32
      %dma_wait3A_119 = arith.constant 0 : i32
      %dma_wait3A_120 = tpu.memref_slice %arg5[%dma_wait3A_119] : memref<25600xi32, #tpu.memory_space<vmem>> -> memref<160xi32, #tpu.memory_space<vmem>>
      %dma_wait3A_121 = arith.constant 0 : i32
      %dma_wait3A_122 = arith.constant 0 : i32
      %dma_wait3A_123 = tpu.memref_slice %arg2[%dma_wait3A_121, %dma_wait3A_122] : memref<100000x128xf32, #tpu.memory_space<hbm>> -> memref<100000x128xf32, #tpu.memory_space<hbm>>
      tpu.wait_indirect_dma semaphore(%arg11 : memref<!tpu.dma_semaphore, #tpu.memory_space<semaphore_mem>>) src(%dma_wait3A_123 : memref<100000x128xf32, #tpu.memory_space<hbm>>) dst(%arg6 : memref<160x128xf32, #tpu.memory_space<vmem>>)
      %add3A_124 = arith.constant 0 : i32
      %add3A_125 = arith.addi %mul3A_118, %add3A_124 : i32
      %mul3A_126 = arith.constant 160 : i32
      %mul3A_127 = arith.muli %add3A_125, %mul3A_126 : i32
      %add3A_128 = arith.addi %mul3A_2, %mul3A_127 : i32
      %dma_start3A_129 = arith.constant 0 : i32
      %dma_start3A_130 = tpu.memref_slice %arg4[%add3A_128, %dma_start3A_129] : memref<819200x128xf32, #tpu.memory_space<hbm>> -> memref<160x128xf32, #tpu.memory_space<hbm>>
      %dma_start3A_131 = arith.constant 0 : i32
      %dma_start3A_132 = tpu.memref_slice %arg4[%add3A_128, %dma_start3A_131] : memref<819200x128xf32, #tpu.memory_space<hbm>> -> memref<160x128xf32, #tpu.memory_space<hbm>>
      tpu.enqueue_dma source(%arg6 : memref<160x128xf32, #tpu.memory_space<vmem>>) target(%dma_start3A_132 : memref<160x128xf32, #tpu.memory_space<hbm>>) target_semaphore(%arg16 : memref<!tpu.dma_semaphore, #tpu.memory_space<semaphore_mem>>)
      %dma_wait3A_133 = arith.constant 0 : i32
      %dma_wait3A_134 = tpu.memref_slice %arg5[%dma_wait3A_133] : memref<25600xi32, #tpu.memory_space<vmem>> -> memref<160xi32, #tpu.memory_space<vmem>>
      %dma_wait3A_135 = arith.constant 0 : i32
      %dma_wait3A_136 = arith.constant 0 : i32
      %dma_wait3A_137 = tpu.memref_slice %arg2[%dma_wait3A_135, %dma_wait3A_136] : memref<100000x128xf32, #tpu.memory_space<hbm>> -> memref<100000x128xf32, #tpu.memory_space<hbm>>
      tpu.wait_indirect_dma semaphore(%arg12 : memref<!tpu.dma_semaphore, #tpu.memory_space<semaphore_mem>>) src(%dma_wait3A_137 : memref<100000x128xf32, #tpu.memory_space<hbm>>) dst(%arg7 : memref<160x128xf32, #tpu.memory_space<vmem>>)
      %add3A_138 = arith.constant 1 : i32
      %add3A_139 = arith.addi %mul3A_118, %add3A_138 : i32
      %mul3A_140 = arith.constant 160 : i32
      %mul3A_141 = arith.muli %add3A_139, %mul3A_140 : i32
      %add3A_142 = arith.addi %mul3A_2, %mul3A_141 : i32
      %dma_start3A_143 = arith.constant 0 : i32
      %dma_start3A_144 = tpu.memref_slice %arg4[%add3A_142, %dma_start3A_143] : memref<819200x128xf32, #tpu.memory_space<hbm>> -> memref<160x128xf32, #tpu.memory_space<hbm>>
      %dma_start3A_145 = arith.constant 0 : i32
      %dma_start3A_146 = tpu.memref_slice %arg4[%add3A_142, %dma_start3A_145] : memref<819200x128xf32, #tpu.memory_space<hbm>> -> memref<160x128xf32, #tpu.memory_space<hbm>>
      tpu.enqueue_dma source(%arg7 : memref<160x128xf32, #tpu.memory_space<vmem>>) target(%dma_start3A_146 : memref<160x128xf32, #tpu.memory_space<hbm>>) target_semaphore(%arg17 : memref<!tpu.dma_semaphore, #tpu.memory_space<semaphore_mem>>)
      %dma_wait3A_147 = arith.constant 0 : i32
      %dma_wait3A_148 = tpu.memref_slice %arg5[%dma_wait3A_147] : memref<25600xi32, #tpu.memory_space<vmem>> -> memref<160xi32, #tpu.memory_space<vmem>>
      %dma_wait3A_149 = arith.constant 0 : i32
      %dma_wait3A_150 = arith.constant 0 : i32
      %dma_wait3A_151 = tpu.memref_slice %arg2[%dma_wait3A_149, %dma_wait3A_150] : memref<100000x128xf32, #tpu.memory_space<hbm>> -> memref<100000x128xf32, #tpu.memory_space<hbm>>
      tpu.wait_indirect_dma semaphore(%arg13 : memref<!tpu.dma_semaphore, #tpu.memory_space<semaphore_mem>>) src(%dma_wait3A_151 : memref<100000x128xf32, #tpu.memory_space<hbm>>) dst(%arg8 : memref<160x128xf32, #tpu.memory_space<vmem>>)
      %add3A_152 = arith.constant 2 : i32
      %add3A_153 = arith.addi %mul3A_118, %add3A_152 : i32
      %mul3A_154 = arith.constant 160 : i32
      %mul3A_155 = arith.muli %add3A_153, %mul3A_154 : i32
      %add3A_156 = arith.addi %mul3A_2, %mul3A_155 : i32
      %dma_start3A_157 = arith.constant 0 : i32
      %dma_start3A_158 = tpu.memref_slice %arg4[%add3A_156, %dma_start3A_157] : memref<819200x128xf32, #tpu.memory_space<hbm>> -> memref<160x128xf32, #tpu.memory_space<hbm>>
      %dma_start3A_159 = arith.constant 0 : i32
      %dma_start3A_160 = tpu.memref_slice %arg4[%add3A_156, %dma_start3A_159] : memref<819200x128xf32, #tpu.memory_space<hbm>> -> memref<160x128xf32, #tpu.memory_space<hbm>>
      tpu.enqueue_dma source(%arg8 : memref<160x128xf32, #tpu.memory_space<vmem>>) target(%dma_start3A_160 : memref<160x128xf32, #tpu.memory_space<hbm>>) target_semaphore(%arg18 : memref<!tpu.dma_semaphore, #tpu.memory_space<semaphore_mem>>)
      %dma_wait3A_161 = arith.constant 0 : i32
      %dma_wait3A_162 = tpu.memref_slice %arg5[%dma_wait3A_161] : memref<25600xi32, #tpu.memory_space<vmem>> -> memref<160xi32, #tpu.memory_space<vmem>>
      %dma_wait3A_163 = arith.constant 0 : i32
      %dma_wait3A_164 = arith.constant 0 : i32
      %dma_wait3A_165 = tpu.memref_slice %arg2[%dma_wait3A_163, %dma_wait3A_164] : memref<100000x128xf32, #tpu.memory_space<hbm>> -> memref<100000x128xf32, #tpu.memory_space<hbm>>
      tpu.wait_indirect_dma semaphore(%arg14 : memref<!tpu.dma_semaphore, #tpu.memory_space<semaphore_mem>>) src(%dma_wait3A_165 : memref<100000x128xf32, #tpu.memory_space<hbm>>) dst(%arg9 : memref<160x128xf32, #tpu.memory_space<vmem>>)
      %add3A_166 = arith.constant 3 : i32
      %add3A_167 = arith.addi %mul3A_118, %add3A_166 : i32
      %mul3A_168 = arith.constant 160 : i32
      %mul3A_169 = arith.muli %add3A_167, %mul3A_168 : i32
      %add3A_170 = arith.addi %mul3A_2, %mul3A_169 : i32
      %dma_start3A_171 = arith.constant 0 : i32
      %dma_start3A_172 = tpu.memref_slice %arg4[%add3A_170, %dma_start3A_171] : memref<819200x128xf32, #tpu.memory_space<hbm>> -> memref<160x128xf32, #tpu.memory_space<hbm>>
      %dma_start3A_173 = arith.constant 0 : i32
      %dma_start3A_174 = tpu.memref_slice %arg4[%add3A_170, %dma_start3A_173] : memref<819200x128xf32, #tpu.memory_space<hbm>> -> memref<160x128xf32, #tpu.memory_space<hbm>>
      tpu.enqueue_dma source(%arg9 : memref<160x128xf32, #tpu.memory_space<vmem>>) target(%dma_start3A_174 : memref<160x128xf32, #tpu.memory_space<hbm>>) target_semaphore(%arg19 : memref<!tpu.dma_semaphore, #tpu.memory_space<semaphore_mem>>)
      %dma_wait3A_175 = arith.constant 0 : i32
      %dma_wait3A_176 = tpu.memref_slice %arg5[%dma_wait3A_175] : memref<25600xi32, #tpu.memory_space<vmem>> -> memref<160xi32, #tpu.memory_space<vmem>>
      %dma_wait3A_177 = arith.constant 0 : i32
      %dma_wait3A_178 = arith.constant 0 : i32
      %dma_wait3A_179 = tpu.memref_slice %arg2[%dma_wait3A_177, %dma_wait3A_178] : memref<100000x128xf32, #tpu.memory_space<hbm>> -> memref<100000x128xf32, #tpu.memory_space<hbm>>
      tpu.wait_indirect_dma semaphore(%arg15 : memref<!tpu.dma_semaphore, #tpu.memory_space<semaphore_mem>>) src(%dma_wait3A_179 : memref<100000x128xf32, #tpu.memory_space<hbm>>) dst(%arg10 : memref<160x128xf32, #tpu.memory_space<vmem>>)
      %add3A_180 = arith.constant 4 : i32
      %add3A_181 = arith.addi %mul3A_118, %add3A_180 : i32
      %mul3A_182 = arith.constant 160 : i32
      %mul3A_183 = arith.muli %add3A_181, %mul3A_182 : i32
      %add3A_184 = arith.addi %mul3A_2, %mul3A_183 : i32
      %dma_start3A_185 = arith.constant 0 : i32
      %dma_start3A_186 = tpu.memref_slice %arg4[%add3A_184, %dma_start3A_185] : memref<819200x128xf32, #tpu.memory_space<hbm>> -> memref<160x128xf32, #tpu.memory_space<hbm>>
      %dma_start3A_187 = arith.constant 0 : i32
      %dma_start3A_188 = tpu.memref_slice %arg4[%add3A_184, %dma_start3A_187] : memref<819200x128xf32, #tpu.memory_space<hbm>> -> memref<160x128xf32, #tpu.memory_space<hbm>>
      tpu.enqueue_dma source(%arg10 : memref<160x128xf32, #tpu.memory_space<vmem>>) target(%dma_start3A_188 : memref<160x128xf32, #tpu.memory_space<hbm>>) target_semaphore(%arg20 : memref<!tpu.dma_semaphore, #tpu.memory_space<semaphore_mem>>)
      %dma_wait3A_189 = arith.constant 0 : i32
      %dma_wait3A_190 = arith.constant 0 : i32
      %dma_wait3A_191 = tpu.memref_slice %arg4[%dma_wait3A_189, %dma_wait3A_190] : memref<819200x128xf32, #tpu.memory_space<hbm>> -> memref<160x128xf32, #tpu.memory_space<hbm>>
      %dma_wait3A_192 = arith.constant 0 : i32
      %dma_wait3A_193 = arith.constant 0 : i32
      %dma_wait3A_194 = tpu.memref_slice %arg4[%dma_wait3A_192, %dma_wait3A_193] : memref<819200x128xf32, #tpu.memory_space<hbm>> -> memref<160x128xf32, #tpu.memory_space<hbm>>
      tpu.wait_dma2 semaphore(%arg16 : memref<!tpu.dma_semaphore, #tpu.memory_space<semaphore_mem>>) src(%arg6 : memref<160x128xf32, #tpu.memory_space<vmem>>) dst(%dma_wait3A_194 : memref<160x128xf32, #tpu.memory_space<hbm>>)
      %add3A_195 = arith.constant 5 : i32
      %add3A_196 = arith.addi %mul3A_118, %add3A_195 : i32
      %add3A_197 = arith.constant 0 : i32
      %add3A_198 = arith.addi %add3A_196, %add3A_197 : i32
      %mul3A_199 = arith.constant 160 : i32
      %mul3A_200 = arith.muli %add3A_198, %mul3A_199 : i32
      %dma_start3A_201 = tpu.memref_slice %arg5[%mul3A_200] : memref<25600xi32, #tpu.memory_space<vmem>> -> memref<160xi32, #tpu.memory_space<vmem>>
      %dma_start3A_202 = arith.constant 0 : i32
      %dma_start3A_203 = arith.constant 0 : i32
      %dma_start3A_204 = tpu.memref_slice %arg2[%dma_start3A_202, %dma_start3A_203] : memref<100000x128xf32, #tpu.memory_space<hbm>> -> memref<100000x128xf32, #tpu.memory_space<hbm>>
      tpu.enqueue_indirect_dma source(%dma_start3A_204 : memref<100000x128xf32, #tpu.memory_space<hbm>>) target(%arg6 : memref<160x128xf32, #tpu.memory_space<vmem>>) offsets(%dma_start3A_201 : memref<160xi32, #tpu.memory_space<vmem>>) semaphore(%arg11 : memref<!tpu.dma_semaphore, #tpu.memory_space<semaphore_mem>>)
      %dma_wait3A_205 = arith.constant 0 : i32
      %dma_wait3A_206 = arith.constant 0 : i32
      %dma_wait3A_207 = tpu.memref_slice %arg4[%dma_wait3A_205, %dma_wait3A_206] : memref<819200x128xf32, #tpu.memory_space<hbm>> -> memref<160x128xf32, #tpu.memory_space<hbm>>
      %dma_wait3A_208 = arith.constant 0 : i32
      %dma_wait3A_209 = arith.constant 0 : i32
      %dma_wait3A_210 = tpu.memref_slice %arg4[%dma_wait3A_208, %dma_wait3A_209] : memref<819200x128xf32, #tpu.memory_space<hbm>> -> memref<160x128xf32, #tpu.memory_space<hbm>>
      tpu.wait_dma2 semaphore(%arg17 : memref<!tpu.dma_semaphore, #tpu.memory_space<semaphore_mem>>) src(%arg7 : memref<160x128xf32, #tpu.memory_space<vmem>>) dst(%dma_wait3A_210 : memref<160x128xf32, #tpu.memory_space<hbm>>)
      %add3A_211 = arith.constant 5 : i32
      %add3A_212 = arith.addi %mul3A_118, %add3A_211 : i32
      %add3A_213 = arith.constant 1 : i32
      %add3A_214 = arith.addi %add3A_212, %add3A_213 : i32
      %mul3A_215 = arith.constant 160 : i32
      %mul3A_216 = arith.muli %add3A_214, %mul3A_215 : i32
      %dma_start3A_217 = tpu.memref_slice %arg5[%mul3A_216] : memref<25600xi32, #tpu.memory_space<vmem>> -> memref<160xi32, #tpu.memory_space<vmem>>
      %dma_start3A_218 = arith.constant 0 : i32
      %dma_start3A_219 = arith.constant 0 : i32
      %dma_start3A_220 = tpu.memref_slice %arg2[%dma_start3A_218, %dma_start3A_219] : memref<100000x128xf32, #tpu.memory_space<hbm>> -> memref<100000x128xf32, #tpu.memory_space<hbm>>
      tpu.enqueue_indirect_dma source(%dma_start3A_220 : memref<100000x128xf32, #tpu.memory_space<hbm>>) target(%arg7 : memref<160x128xf32, #tpu.memory_space<vmem>>) offsets(%dma_start3A_217 : memref<160xi32, #tpu.memory_space<vmem>>) semaphore(%arg12 : memref<!tpu.dma_semaphore, #tpu.memory_space<semaphore_mem>>)
      %dma_wait3A_221 = arith.constant 0 : i32
      %dma_wait3A_222 = arith.constant 0 : i32
      %dma_wait3A_223 = tpu.memref_slice %arg4[%dma_wait3A_221, %dma_wait3A_222] : memref<819200x128xf32, #tpu.memory_space<hbm>> -> memref<160x128xf32, #tpu.memory_space<hbm>>
      %dma_wait3A_224 = arith.constant 0 : i32
      %dma_wait3A_225 = arith.constant 0 : i32
      %dma_wait3A_226 = tpu.memref_slice %arg4[%dma_wait3A_224, %dma_wait3A_225] : memref<819200x128xf32, #tpu.memory_space<hbm>> -> memref<160x128xf32, #tpu.memory_space<hbm>>
      tpu.wait_dma2 semaphore(%arg18 : memref<!tpu.dma_semaphore, #tpu.memory_space<semaphore_mem>>) src(%arg8 : memref<160x128xf32, #tpu.memory_space<vmem>>) dst(%dma_wait3A_226 : memref<160x128xf32, #tpu.memory_space<hbm>>)
      %add3A_227 = arith.constant 5 : i32
      %add3A_228 = arith.addi %mul3A_118, %add3A_227 : i32
      %add3A_229 = arith.constant 2 : i32
      %add3A_230 = arith.addi %add3A_228, %add3A_229 : i32
      %mul3A_231 = arith.constant 160 : i32
      %mul3A_232 = arith.muli %add3A_230, %mul3A_231 : i32
      %dma_start3A_233 = tpu.memref_slice %arg5[%mul3A_232] : memref<25600xi32, #tpu.memory_space<vmem>> -> memref<160xi32, #tpu.memory_space<vmem>>
      %dma_start3A_234 = arith.constant 0 : i32
      %dma_start3A_235 = arith.constant 0 : i32
      %dma_start3A_236 = tpu.memref_slice %arg2[%dma_start3A_234, %dma_start3A_235] : memref<100000x128xf32, #tpu.memory_space<hbm>> -> memref<100000x128xf32, #tpu.memory_space<hbm>>
      tpu.enqueue_indirect_dma source(%dma_start3A_236 : memref<100000x128xf32, #tpu.memory_space<hbm>>) target(%arg8 : memref<160x128xf32, #tpu.memory_space<vmem>>) offsets(%dma_start3A_233 : memref<160xi32, #tpu.memory_space<vmem>>) semaphore(%arg13 : memref<!tpu.dma_semaphore, #tpu.memory_space<semaphore_mem>>)
      %dma_wait3A_237 = arith.constant 0 : i32
      %dma_wait3A_238 = arith.constant 0 : i32
      %dma_wait3A_239 = tpu.memref_slice %arg4[%dma_wait3A_237, %dma_wait3A_238] : memref<819200x128xf32, #tpu.memory_space<hbm>> -> memref<160x128xf32, #tpu.memory_space<hbm>>
      %dma_wait3A_240 = arith.constant 0 : i32
      %dma_wait3A_241 = arith.constant 0 : i32
      %dma_wait3A_242 = tpu.memref_slice %arg4[%dma_wait3A_240, %dma_wait3A_241] : memref<819200x128xf32, #tpu.memory_space<hbm>> -> memref<160x128xf32, #tpu.memory_space<hbm>>
      tpu.wait_dma2 semaphore(%arg19 : memref<!tpu.dma_semaphore, #tpu.memory_space<semaphore_mem>>) src(%arg9 : memref<160x128xf32, #tpu.memory_space<vmem>>) dst(%dma_wait3A_242 : memref<160x128xf32, #tpu.memory_space<hbm>>)
      %add3A_243 = arith.constant 5 : i32
      %add3A_244 = arith.addi %mul3A_118, %add3A_243 : i32
      %add3A_245 = arith.constant 3 : i32
      %add3A_246 = arith.addi %add3A_244, %add3A_245 : i32
      %mul3A_247 = arith.constant 160 : i32
      %mul3A_248 = arith.muli %add3A_246, %mul3A_247 : i32
      %dma_start3A_249 = tpu.memref_slice %arg5[%mul3A_248] : memref<25600xi32, #tpu.memory_space<vmem>> -> memref<160xi32, #tpu.memory_space<vmem>>
      %dma_start3A_250 = arith.constant 0 : i32
      %dma_start3A_251 = arith.constant 0 : i32
      %dma_start3A_252 = tpu.memref_slice %arg2[%dma_start3A_250, %dma_start3A_251] : memref<100000x128xf32, #tpu.memory_space<hbm>> -> memref<100000x128xf32, #tpu.memory_space<hbm>>
      tpu.enqueue_indirect_dma source(%dma_start3A_252 : memref<100000x128xf32, #tpu.memory_space<hbm>>) target(%arg9 : memref<160x128xf32, #tpu.memory_space<vmem>>) offsets(%dma_start3A_249 : memref<160xi32, #tpu.memory_space<vmem>>) semaphore(%arg14 : memref<!tpu.dma_semaphore, #tpu.memory_space<semaphore_mem>>)
      %dma_wait3A_253 = arith.constant 0 : i32
      %dma_wait3A_254 = arith.constant 0 : i32
      %dma_wait3A_255 = tpu.memref_slice %arg4[%dma_wait3A_253, %dma_wait3A_254] : memref<819200x128xf32, #tpu.memory_space<hbm>> -> memref<160x128xf32, #tpu.memory_space<hbm>>
      %dma_wait3A_256 = arith.constant 0 : i32
      %dma_wait3A_257 = arith.constant 0 : i32
      %dma_wait3A_258 = tpu.memref_slice %arg4[%dma_wait3A_256, %dma_wait3A_257] : memref<819200x128xf32, #tpu.memory_space<hbm>> -> memref<160x128xf32, #tpu.memory_space<hbm>>
      tpu.wait_dma2 semaphore(%arg20 : memref<!tpu.dma_semaphore, #tpu.memory_space<semaphore_mem>>) src(%arg10 : memref<160x128xf32, #tpu.memory_space<vmem>>) dst(%dma_wait3A_258 : memref<160x128xf32, #tpu.memory_space<hbm>>)
      %add3A_259 = arith.constant 5 : i32
      %add3A_260 = arith.addi %mul3A_118, %add3A_259 : i32
      %add3A_261 = arith.constant 4 : i32
      %add3A_262 = arith.addi %add3A_260, %add3A_261 : i32
      %mul3A_263 = arith.constant 160 : i32
      %mul3A_264 = arith.muli %add3A_262, %mul3A_263 : i32
      %dma_start3A_265 = tpu.memref_slice %arg5[%mul3A_264] : memref<25600xi32, #tpu.memory_space<vmem>> -> memref<160xi32, #tpu.memory_space<vmem>>
      %dma_start3A_266 = arith.constant 0 : i32
      %dma_start3A_267 = arith.constant 0 : i32
      %dma_start3A_268 = tpu.memref_slice %arg2[%dma_start3A_266, %dma_start3A_267] : memref<100000x128xf32, #tpu.memory_space<hbm>> -> memref<100000x128xf32, #tpu.memory_space<hbm>>
      tpu.enqueue_indirect_dma source(%dma_start3A_268 : memref<100000x128xf32, #tpu.memory_space<hbm>>) target(%arg10 : memref<160x128xf32, #tpu.memory_space<vmem>>) offsets(%dma_start3A_265 : memref<160xi32, #tpu.memory_space<vmem>>) semaphore(%arg15 : memref<!tpu.dma_semaphore, #tpu.memory_space<semaphore_mem>>)
    }
    %scan3A_31 = arith.constant 31 : i32
    %dma_wait3A = arith.constant 0 : i32
    %dma_wait3A_32 = tpu.memref_slice %arg5[%dma_wait3A] : memref<25600xi32, #tpu.memory_space<vmem>> -> memref<160xi32, #tpu.memory_space<vmem>>
    %dma_wait3A_33 = arith.constant 0 : i32
    %dma_wait3A_34 = arith.constant 0 : i32
    %dma_wait3A_35 = tpu.memref_slice %arg2[%dma_wait3A_33, %dma_wait3A_34] : memref<100000x128xf32, #tpu.memory_space<hbm>> -> memref<100000x128xf32, #tpu.memory_space<hbm>>
    tpu.wait_indirect_dma semaphore(%arg11 : memref<!tpu.dma_semaphore, #tpu.memory_space<semaphore_mem>>) src(%dma_wait3A_35 : memref<100000x128xf32, #tpu.memory_space<hbm>>) dst(%arg6 : memref<160x128xf32, #tpu.memory_space<vmem>>)
    %add3A_36 = arith.constant 24800 : i32
    %add3A_37 = arith.addi %mul3A_2, %add3A_36 : i32
    %dma_start3A_38 = arith.constant 0 : i32
    %dma_start3A_39 = tpu.memref_slice %arg4[%add3A_37, %dma_start3A_38] : memref<819200x128xf32, #tpu.memory_space<hbm>> -> memref<160x128xf32, #tpu.memory_space<hbm>>
    %dma_start3A_40 = arith.constant 0 : i32
    %dma_start3A_41 = tpu.memref_slice %arg4[%add3A_37, %dma_start3A_40] : memref<819200x128xf32, #tpu.memory_space<hbm>> -> memref<160x128xf32, #tpu.memory_space<hbm>>
    tpu.enqueue_dma source(%arg6 : memref<160x128xf32, #tpu.memory_space<vmem>>) target(%dma_start3A_41 : memref<160x128xf32, #tpu.memory_space<hbm>>) target_semaphore(%arg16 : memref<!tpu.dma_semaphore, #tpu.memory_space<semaphore_mem>>)
    %dma_wait3A_42 = arith.constant 0 : i32
    %dma_wait3A_43 = tpu.memref_slice %arg5[%dma_wait3A_42] : memref<25600xi32, #tpu.memory_space<vmem>> -> memref<160xi32, #tpu.memory_space<vmem>>
    %dma_wait3A_44 = arith.constant 0 : i32
    %dma_wait3A_45 = arith.constant 0 : i32
    %dma_wait3A_46 = tpu.memref_slice %arg2[%dma_wait3A_44, %dma_wait3A_45] : memref<100000x128xf32, #tpu.memory_space<hbm>> -> memref<100000x128xf32, #tpu.memory_space<hbm>>
    tpu.wait_indirect_dma semaphore(%arg12 : memref<!tpu.dma_semaphore, #tpu.memory_space<semaphore_mem>>) src(%dma_wait3A_46 : memref<100000x128xf32, #tpu.memory_space<hbm>>) dst(%arg7 : memref<160x128xf32, #tpu.memory_space<vmem>>)
    %add3A_47 = arith.constant 24960 : i32
    %add3A_48 = arith.addi %mul3A_2, %add3A_47 : i32
    %dma_start3A_49 = arith.constant 0 : i32
    %dma_start3A_50 = tpu.memref_slice %arg4[%add3A_48, %dma_start3A_49] : memref<819200x128xf32, #tpu.memory_space<hbm>> -> memref<160x128xf32, #tpu.memory_space<hbm>>
    %dma_start3A_51 = arith.constant 0 : i32
    %dma_start3A_52 = tpu.memref_slice %arg4[%add3A_48, %dma_start3A_51] : memref<819200x128xf32, #tpu.memory_space<hbm>> -> memref<160x128xf32, #tpu.memory_space<hbm>>
    tpu.enqueue_dma source(%arg7 : memref<160x128xf32, #tpu.memory_space<vmem>>) target(%dma_start3A_52 : memref<160x128xf32, #tpu.memory_space<hbm>>) target_semaphore(%arg17 : memref<!tpu.dma_semaphore, #tpu.memory_space<semaphore_mem>>)
    %dma_wait3A_53 = arith.constant 0 : i32
    %dma_wait3A_54 = tpu.memref_slice %arg5[%dma_wait3A_53] : memref<25600xi32, #tpu.memory_space<vmem>> -> memref<160xi32, #tpu.memory_space<vmem>>
    %dma_wait3A_55 = arith.constant 0 : i32
    %dma_wait3A_56 = arith.constant 0 : i32
    %dma_wait3A_57 = tpu.memref_slice %arg2[%dma_wait3A_55, %dma_wait3A_56] : memref<100000x128xf32, #tpu.memory_space<hbm>> -> memref<100000x128xf32, #tpu.memory_space<hbm>>
    tpu.wait_indirect_dma semaphore(%arg13 : memref<!tpu.dma_semaphore, #tpu.memory_space<semaphore_mem>>) src(%dma_wait3A_57 : memref<100000x128xf32, #tpu.memory_space<hbm>>) dst(%arg8 : memref<160x128xf32, #tpu.memory_space<vmem>>)
    %add3A_58 = arith.constant 25120 : i32
    %add3A_59 = arith.addi %mul3A_2, %add3A_58 : i32
    %dma_start3A_60 = arith.constant 0 : i32
    %dma_start3A_61 = tpu.memref_slice %arg4[%add3A_59, %dma_start3A_60] : memref<819200x128xf32, #tpu.memory_space<hbm>> -> memref<160x128xf32, #tpu.memory_space<hbm>>
    %dma_start3A_62 = arith.constant 0 : i32
    %dma_start3A_63 = tpu.memref_slice %arg4[%add3A_59, %dma_start3A_62] : memref<819200x128xf32, #tpu.memory_space<hbm>> -> memref<160x128xf32, #tpu.memory_space<hbm>>
    tpu.enqueue_dma source(%arg8 : memref<160x128xf32, #tpu.memory_space<vmem>>) target(%dma_start3A_63 : memref<160x128xf32, #tpu.memory_space<hbm>>) target_semaphore(%arg18 : memref<!tpu.dma_semaphore, #tpu.memory_space<semaphore_mem>>)
    %dma_wait3A_64 = arith.constant 0 : i32
    %dma_wait3A_65 = tpu.memref_slice %arg5[%dma_wait3A_64] : memref<25600xi32, #tpu.memory_space<vmem>> -> memref<160xi32, #tpu.memory_space<vmem>>
    %dma_wait3A_66 = arith.constant 0 : i32
    %dma_wait3A_67 = arith.constant 0 : i32
    %dma_wait3A_68 = tpu.memref_slice %arg2[%dma_wait3A_66, %dma_wait3A_67] : memref<100000x128xf32, #tpu.memory_space<hbm>> -> memref<100000x128xf32, #tpu.memory_space<hbm>>
    tpu.wait_indirect_dma semaphore(%arg14 : memref<!tpu.dma_semaphore, #tpu.memory_space<semaphore_mem>>) src(%dma_wait3A_68 : memref<100000x128xf32, #tpu.memory_space<hbm>>) dst(%arg9 : memref<160x128xf32, #tpu.memory_space<vmem>>)
    %add3A_69 = arith.constant 25280 : i32
    %add3A_70 = arith.addi %mul3A_2, %add3A_69 : i32
    %dma_start3A_71 = arith.constant 0 : i32
    %dma_start3A_72 = tpu.memref_slice %arg4[%add3A_70, %dma_start3A_71] : memref<819200x128xf32, #tpu.memory_space<hbm>> -> memref<160x128xf32, #tpu.memory_space<hbm>>
    %dma_start3A_73 = arith.constant 0 : i32
    %dma_start3A_74 = tpu.memref_slice %arg4[%add3A_70, %dma_start3A_73] : memref<819200x128xf32, #tpu.memory_space<hbm>> -> memref<160x128xf32, #tpu.memory_space<hbm>>
    tpu.enqueue_dma source(%arg9 : memref<160x128xf32, #tpu.memory_space<vmem>>) target(%dma_start3A_74 : memref<160x128xf32, #tpu.memory_space<hbm>>) target_semaphore(%arg19 : memref<!tpu.dma_semaphore, #tpu.memory_space<semaphore_mem>>)
    %dma_wait3A_75 = arith.constant 0 : i32
    %dma_wait3A_76 = tpu.memref_slice %arg5[%dma_wait3A_75] : memref<25600xi32, #tpu.memory_space<vmem>> -> memref<160xi32, #tpu.memory_space<vmem>>
    %dma_wait3A_77 = arith.constant 0 : i32
    %dma_wait3A_78 = arith.constant 0 : i32
    %dma_wait3A_79 = tpu.memref_slice %arg2[%dma_wait3A_77, %dma_wait3A_78] : memref<100000x128xf32, #tpu.memory_space<hbm>> -> memref<100000x128xf32, #tpu.memory_space<hbm>>
    tpu.wait_indirect_dma semaphore(%arg15 : memref<!tpu.dma_semaphore, #tpu.memory_space<semaphore_mem>>) src(%dma_wait3A_79 : memref<100000x128xf32, #tpu.memory_space<hbm>>) dst(%arg10 : memref<160x128xf32, #tpu.memory_space<vmem>>)
    %add3A_80 = arith.constant 25440 : i32
    %add3A_81 = arith.addi %mul3A_2, %add3A_80 : i32
    %dma_start3A_82 = arith.constant 0 : i32
    %dma_start3A_83 = tpu.memref_slice %arg4[%add3A_81, %dma_start3A_82] : memref<819200x128xf32, #tpu.memory_space<hbm>> -> memref<160x128xf32, #tpu.memory_space<hbm>>
    %dma_start3A_84 = arith.constant 0 : i32
    %dma_start3A_85 = tpu.memref_slice %arg4[%add3A_81, %dma_start3A_84] : memref<819200x128xf32, #tpu.memory_space<hbm>> -> memref<160x128xf32, #tpu.memory_space<hbm>>
    tpu.enqueue_dma source(%arg10 : memref<160x128xf32, #tpu.memory_space<vmem>>) target(%dma_start3A_85 : memref<160x128xf32, #tpu.memory_space<hbm>>) target_semaphore(%arg20 : memref<!tpu.dma_semaphore, #tpu.memory_space<semaphore_mem>>)
    %dma_wait3A_86 = arith.constant 0 : i32
    %dma_wait3A_87 = arith.constant 0 : i32
    %dma_wait3A_88 = tpu.memref_slice %arg4[%dma_wait3A_86, %dma_wait3A_87] : memref<819200x128xf32, #tpu.memory_space<hbm>> -> memref<160x128xf32, #tpu.memory_space<hbm>>
    %dma_wait3A_89 = arith.constant 0 : i32
    %dma_wait3A_90 = arith.constant 0 : i32
    %dma_wait3A_91 = tpu.memref_slice %arg4[%dma_wait3A_89, %dma_wait3A_90] : memref<819200x128xf32, #tpu.memory_space<hbm>> -> memref<160x128xf32, #tpu.memory_space<hbm>>
    tpu.wait_dma2 semaphore(%arg16 : memref<!tpu.dma_semaphore, #tpu.memory_space<semaphore_mem>>) src(%arg6 : memref<160x128xf32, #tpu.memory_space<vmem>>) dst(%dma_wait3A_91 : memref<160x128xf32, #tpu.memory_space<hbm>>)
    %dma_wait3A_92 = arith.constant 0 : i32
    %dma_wait3A_93 = arith.constant 0 : i32
    %dma_wait3A_94 = tpu.memref_slice %arg4[%dma_wait3A_92, %dma_wait3A_93] : memref<819200x128xf32, #tpu.memory_space<hbm>> -> memref<160x128xf32, #tpu.memory_space<hbm>>
    %dma_wait3A_95 = arith.constant 0 : i32
    %dma_wait3A_96 = arith.constant 0 : i32
    %dma_wait3A_97 = tpu.memref_slice %arg4[%dma_wait3A_95, %dma_wait3A_96] : memref<819200x128xf32, #tpu.memory_space<hbm>> -> memref<160x128xf32, #tpu.memory_space<hbm>>
    tpu.wait_dma2 semaphore(%arg17 : memref<!tpu.dma_semaphore, #tpu.memory_space<semaphore_mem>>) src(%arg7 : memref<160x128xf32, #tpu.memory_space<vmem>>) dst(%dma_wait3A_97 : memref<160x128xf32, #tpu.memory_space<hbm>>)
    %dma_wait3A_98 = arith.constant 0 : i32
    %dma_wait3A_99 = arith.constant 0 : i32
    %dma_wait3A_100 = tpu.memref_slice %arg4[%dma_wait3A_98, %dma_wait3A_99] : memref<819200x128xf32, #tpu.memory_space<hbm>> -> memref<160x128xf32, #tpu.memory_space<hbm>>
    %dma_wait3A_101 = arith.constant 0 : i32
    %dma_wait3A_102 = arith.constant 0 : i32
    %dma_wait3A_103 = tpu.memref_slice %arg4[%dma_wait3A_101, %dma_wait3A_102] : memref<819200x128xf32, #tpu.memory_space<hbm>> -> memref<160x128xf32, #tpu.memory_space<hbm>>
    tpu.wait_dma2 semaphore(%arg18 : memref<!tpu.dma_semaphore, #tpu.memory_space<semaphore_mem>>) src(%arg8 : memref<160x128xf32, #tpu.memory_space<vmem>>) dst(%dma_wait3A_103 : memref<160x128xf32, #tpu.memory_space<hbm>>)
    %dma_wait3A_104 = arith.constant 0 : i32
    %dma_wait3A_105 = arith.constant 0 : i32
    %dma_wait3A_106 = tpu.memref_slice %arg4[%dma_wait3A_104, %dma_wait3A_105] : memref<819200x128xf32, #tpu.memory_space<hbm>> -> memref<160x128xf32, #tpu.memory_space<hbm>>
    %dma_wait3A_107 = arith.constant 0 : i32
    %dma_wait3A_108 = arith.constant 0 : i32
    %dma_wait3A_109 = tpu.memref_slice %arg4[%dma_wait3A_107, %dma_wait3A_108] : memref<819200x128xf32, #tpu.memory_space<hbm>> -> memref<160x128xf32, #tpu.memory_space<hbm>>
    tpu.wait_dma2 semaphore(%arg19 : memref<!tpu.dma_semaphore, #tpu.memory_space<semaphore_mem>>) src(%arg9 : memref<160x128xf32, #tpu.memory_space<vmem>>) dst(%dma_wait3A_109 : memref<160x128xf32, #tpu.memory_space<hbm>>)
    %dma_wait3A_110 = arith.constant 0 : i32
    %dma_wait3A_111 = arith.constant 0 : i32
    %dma_wait3A_112 = tpu.memref_slice %arg4[%dma_wait3A_110, %dma_wait3A_111] : memref<819200x128xf32, #tpu.memory_space<hbm>> -> memref<160x128xf32, #tpu.memory_space<hbm>>
    %dma_wait3A_113 = arith.constant 0 : i32
    %dma_wait3A_114 = arith.constant 0 : i32
    %dma_wait3A_115 = tpu.memref_slice %arg4[%dma_wait3A_113, %dma_wait3A_114] : memref<819200x128xf32, #tpu.memory_space<hbm>> -> memref<160x128xf32, #tpu.memory_space<hbm>>
    tpu.wait_dma2 semaphore(%arg20 : memref<!tpu.dma_semaphore, #tpu.memory_space<semaphore_mem>>) src(%arg10 : memref<160x128xf32, #tpu.memory_space<vmem>>) dst(%dma_wait3A_115 : memref<160x128xf32, #tpu.memory_space<hbm>>)
    return
  }
}

module attributes {stable_mosaic.version = 14 : i64} {
  func.func @_norm_body(%arg0: i32, %arg1: memref<5000x128xf32, #tpu.memory_space<vmem>>, %arg2: memref<1x128xf32, #tpu.memory_space<vmem>>, %arg3: memref<1x128xf32, #tpu.memory_space<vmem>>, %arg4: memref<5000x128xf32, #tpu.memory_space<vmem>>) attributes {dimension_semantics = [#tpu.dimension_semantics<arbitrary>], iteration_bounds = array<i64: 20>, scalar_prefetch = 0 : i64, scratch_operands = 0 : i64, tpu.core_type = #tpu.core_type<tc>, window_params = [{transform_indices = @transform_0, window_bounds = array<i64: 5000, 128>}, {pipeline_mode = #tpu.pipeline_mode<synchronous>, transform_indices = @transform_1, window_bounds = array<i64: 1, 128>}, {pipeline_mode = #tpu.pipeline_mode<synchronous>, transform_indices = @transform_2, window_bounds = array<i64: 1, 128>}, {transform_indices = @transform_3, window_bounds = array<i64: 5000, 128>}]} {
    %get3A = arith.constant 0 : index
    %get3A_0 = arith.constant 0 : index
    %get3A_1 = vector.load %arg1[%get3A, %get3A_0] : memref<5000x128xf32, #tpu.memory_space<vmem>>, vector<5000x128xf32>
    %reduce_sum3A = arith.constant dense<0.000000e+00> : vector<5000xf32>
    %reduce_sum3A_2 = vector.multi_reduction <add>, %get3A_1, %reduce_sum3A [1] : vector<5000x128xf32> to vector<5000xf32>
    %broadcast_in_dim3A = vector.shape_cast %reduce_sum3A_2 : vector<5000xf32> to vector<5000x1xf32>
    %div3A = arith.constant 1.280000e+02 : f32
    %div3A_3 = vector.broadcast %div3A : f32 to vector<5000x1xf32>
    %div3A_4 = arith.divf %broadcast_in_dim3A, %div3A_3 : vector<5000x1xf32>
    %sub3A = vector.broadcast %div3A_4 : vector<5000x1xf32> to vector<5000x128xf32>
    %sub3A_5 = arith.subf %get3A_1, %sub3A : vector<5000x128xf32>
    %mul3A = arith.mulf %sub3A_5, %sub3A_5 : vector<5000x128xf32>
    %reduce_sum3A_6 = arith.constant dense<0.000000e+00> : vector<5000xf32>
    %reduce_sum3A_7 = vector.multi_reduction <add>, %mul3A, %reduce_sum3A_6 [1] : vector<5000x128xf32> to vector<5000xf32>
    %broadcast_in_dim3A_8 = vector.shape_cast %reduce_sum3A_7 : vector<5000xf32> to vector<5000x1xf32>
    %div3A_9 = arith.constant 1.280000e+02 : f32
    %div3A_10 = vector.broadcast %div3A_9 : f32 to vector<5000x1xf32>
    %div3A_11 = arith.divf %broadcast_in_dim3A_8, %div3A_10 : vector<5000x1xf32>
    %add3A = arith.constant 9.99999974E-6 : f32
    %add3A_12 = vector.broadcast %add3A : f32 to vector<5000x1xf32>
    %add3A_13 = arith.addf %div3A_11, %add3A_12 : vector<5000x1xf32>
    %rsqrt3A = math.rsqrt %add3A_13 : vector<5000x1xf32>
    %mul3A_14 = vector.broadcast %rsqrt3A : vector<5000x1xf32> to vector<5000x128xf32>
    %mul3A_15 = arith.mulf %sub3A_5, %mul3A_14 : vector<5000x128xf32>
    %get3A_16 = arith.constant 0 : index
    %get3A_17 = arith.constant 0 : index
    %get3A_18 = vector.load %arg2[%get3A_16, %get3A_17] : memref<1x128xf32, #tpu.memory_space<vmem>>, vector<1x128xf32>
    %mul3A_19 = vector.broadcast %get3A_18 : vector<1x128xf32> to vector<5000x128xf32>
    %mul3A_20 = arith.mulf %mul3A_15, %mul3A_19 : vector<5000x128xf32>
    %get3A_21 = arith.constant 0 : index
    %get3A_22 = arith.constant 0 : index
    %get3A_23 = vector.load %arg3[%get3A_21, %get3A_22] : memref<1x128xf32, #tpu.memory_space<vmem>>, vector<1x128xf32>
    %add3A_24 = vector.broadcast %get3A_23 : vector<1x128xf32> to vector<5000x128xf32>
    %add3A_25 = arith.addf %mul3A_20, %add3A_24 : vector<5000x128xf32>
    %swap3A = arith.constant 0 : index
    %swap3A_26 = arith.constant 0 : index
    %swap3A_27 = vector.load %arg4[%swap3A, %swap3A_26] : memref<5000x128xf32, #tpu.memory_space<vmem>>, vector<5000x128xf32>
    tpu.vector_store %arg4[%swap3A, %swap3A_26], %add3A_25 {strides = array<i32>} : memref<5000x128xf32, #tpu.memory_space<vmem>>, vector<5000x128xf32>,
    return
  }
  func.func @transform_0(%arg0: i32) -> (i32, i32) {
    %c0_i32 = arith.constant 0 : i32
    %c0_i32_0 = arith.constant 0 : i32
    return %arg0, %c0_i32 : i32, i32
  }
  func.func @transform_1(%arg0: i32) -> (i32, i32) {
    %c0_i32 = arith.constant 0 : i32
    %c0_i32_0 = arith.constant 0 : i32
    %c0_i32_1 = arith.constant 0 : i32
    return %c0_i32, %c0_i32_0 : i32, i32
  }
  func.func @transform_2(%arg0: i32) -> (i32, i32) {
    %c0_i32 = arith.constant 0 : i32
    %c0_i32_0 = arith.constant 0 : i32
    %c0_i32_1 = arith.constant 0 : i32
    return %c0_i32, %c0_i32_0 : i32, i32
  }
  func.func @transform_3(%arg0: i32) -> (i32, i32) {
    %c0_i32 = arith.constant 0 : i32
    %c0_i32_0 = arith.constant 0 : i32
    return %arg0, %c0_i32 : i32, i32
  }
}

</mosaic_0001>

<sc_bundles>
// kernel: kernel.4.cloned.1.call-start
scs
__scs_entry_jumppad:
0x0: {  	(pc) =	sbr.rel $0x88, $3  }
0x1: {  	(tag) =	ssettag $0x0;
	lr =	simm.s32 $0x1  }
0x2: {  	[smem:$0x3F9D] =	sst lr;
	_ =	strace $0xD0000000  }
0x3: {  	_ = 	snop  }
0x4: {  	_ = 	snop  }
0x5: {  	_ = 	snop  }
0x6: {  	_ = 	snop  }
0x7: {  	_ = 	snop  }
__scs_overlays_trampoline_lowered:
0x8: {  	[smem:$0x3FAC] =	sst s0  }
0x9: {  	[smem:$0x3FAD] =	sst s1  }
0xa: {  	[smem:$0x3FAE] =	sst s2  }
0xb: {  	[smem:$0x3FAF] =	sst s3  }
0xc: {  	[smem:$0x3FB0] =	sst s4  }
0xd: {  	[smem:$0x3FB1] =	sst s5  }
0xe: {  	[smem:$0x3FB2] =	sst s6  }
0xf: {  	[smem:$0x3FB3] =	sst s7  }
0x10: {  	[smem:$0x3FB4] =	sst s8  }
0x11: {  	[smem:$0x3FB5] =	sst s9;
	s0 =	simm.s32 @!p0 $0x0  }
0x12: {  	s1 =	sld [smem:$0x3F9B];
	s0 =	simm.s32 @p0 $0x1  }
0x13: {  	[smem:$0x3FB6] =	sst s0;
	s0 =	simm.s32 @!p1 $0x0  }
0x14: {  	s2 =	sld [smem:$0x3F9A];
	s0 =	simm.s32 @p1 $0x1  }
0x15: {  	[smem:$0x3FB7] =	sst s0;
	s0 =	simm.s32 @!p2 $0x0  }
0x16: {  	s3 =	sld [smem:$0x3FDB];
	s0 =	simm.s32 @p2 $0x1  }
0x17: {  	s4 =	simm.s32 $0x1BF5;
	[smem:$0x3FB9] =	sst s0  }
0x18: {  	s0 =	sld [smem:$0x3F9C];
	_ =	swait.ge [sflag:s4], $0x0  }
0x19: {  	s7 =	sld [smem:$0x3F9D]  }
0x1a: {  	s8 =	sadd.s32 $0xFFFFE003, lr  }
0x1b: {  	s9 =	sadd.s32 $0xFFFFFEF7, lr;
	s5 =	simm.s32 $0xFFFFFFFF;
	p2 =	slt.u32 s8, $0xFFFFF086  }
0x1c: {  	p1 =	slt.u32 s9, $0xF7A;
	s5 =	simm.s32 @!p2 $0x0  }
0x1d: {  	s5 =	simm.s32 @p1 $0x1;
	p0 =	seq.s32 s7, s2  }
0x1e: {  	s7 =	smul.u32 @!p0 $0xF7A, s2;
	p2 =	seq.s32 @!p0 s5, $0x0  }
0x1f: {  	s9 =	smul.u32 $0xF7A, s1;
	s8 =	simm.s32 @!p0 $0x1BF5;
	p2 =	por !p2, p0  }
0x20: {  	[sflag:s8] =	ssyncset.s32 @!p0 $0xFFFFF086;
	s6 =	sadd.s32 @!p0 s3, s7;
	s7 =	simm.s32 @!p0 $0x108  }
0x21: {  	s3 =	sadd.s32 s3, s9;
	s6 =	sadd.s32 @!p0 $0x88, s6;
	s7 =	simm.s32 @p2 $0x1082  }
0x22: {  	[simem:s7], [sflag:s8] =	dma.local @!p0 [hbm:s6], $0xF7A  }
0x23: {  	s9 =	sor.u32 $0xD0000000, s2;
	s6 =	simm.s32 $0x108;
	_ =	swait.ge @!p0 [sflag:s8], $0x0  }
0x24: {  	s3 =	sadd.s32 $0x88, s3;
	s6 =	simm.s32 @!p1 $0x1082;
	[sflag:s4] =	ssyncset.s32 $0xFFFFF086  }
0x25: {  	[simem:s6], [sflag:s4] =	dma.local [hbm:s3], $0xF7A  }
0x26: {  	[smem:$0x3F9D] =	sst s1;
	(tag) =	ssettag s2;
	_ =	strace s9  }
0x27: {  	s1 =	sld [smem:$0x3FAD]  }
0x28: {  	s2 =	sld [smem:$0x3FAE]  }
0x29: {  	s4 =	sld [smem:$0x3FB0]  }
0x2a: {  	p0 =	seq.s32 s5, $0x0;
	s5 =	sld [smem:$0x3FB1]  }
0x2b: {  	s6 =	sld [smem:$0x3FB2]  }
0x2c: {  	s7 =	sld [smem:$0x3FB3]  }
0x2d: {  	s3 =	simm.s32 $0x108;
	s8 =	sld [smem:$0x3FB4]  }
0x2e: {  	s3 =	simm.s32 @!p0 $0x1082;
	s9 =	sld [smem:$0x3FB5]  }
0x2f: {  	lr =	sadd.s32 s0, s3;
	s0 =	sld [smem:$0x3FAC]  }
0x30: {  	s3 =	sld [smem:$0x3FAF]  }
0x31: {  	[smem:$0x3FB8] =	sst s10  }
0x32: {  	s10 =	sld [smem:$0x3FB6];
	_ =	sdelay $0x3  }
0x33: {  	p0 =	seq.s32 s10, $0x1;
	s10 =	sld [smem:$0x3FB8];
	_ =	sdelay $0x3  }
0x34: {  	[smem:$0x3FB8] =	sst s10  }
0x35: {  	s10 =	sld [smem:$0x3FB7];
	_ =	sdelay $0x3  }
0x36: {  	p1 =	seq.s32 s10, $0x1;
	s10 =	sld [smem:$0x3FB8];
	_ =	sdelay $0x3  }
0x37: {  	[smem:$0x3FB8] =	sst s10  }
0x38: {  	s10 =	sld [smem:$0x3FB9]  }
0x39: {  	_ = 	snop;
	(pc) =	sbr.ind lr, $3  }
0x3a: {  	_ = 	snop  }
0x3b: {  	_ = 	snop  }
0x3c: {  	p2 =	seq.s32 s10, $0x1;
	s10 =	sld [smem:$0x3FB8]  }
0x3d: {  	_ =	shalt  }
0x3e: {  	_ =	shalt  }
0x3f: {  	_ =	shalt  }
0x40: {  	_ =	shalt  }
0x41: {  	_ =	shalt  }
0x42: {  	_ =	shalt  }
0x43: {  	_ =	shalt  }
0x44: {  	_ =	shalt  }
0x45: {  	_ =	shalt  }
0x46: {  	_ =	shalt  }
0x47: {  	_ =	shalt  }
0x48: {  	_ =	shalt  }
0x49: {  	_ =	shalt  }
0x4a: {  	_ =	shalt  }
0x4b: {  	_ =	shalt  }
0x4c: {  	_ =	shalt  }
0x4d: {  	_ =	shalt  }
0x4e: {  	_ =	shalt  }
0x4f: {  	_ =	shalt  }
0x50: {  	_ =	shalt  }
0x51: {  	_ =	shalt  }
0x52: {  	_ =	shalt  }
0x53: {  	_ =	shalt  }
0x54: {  	_ =	shalt  }
0x55: {  	_ =	shalt  }
0x56: {  	_ =	shalt  }
0x57: {  	_ =	shalt  }
0x58: {  	_ =	shalt  }
0x59: {  	_ =	shalt  }
0x5a: {  	_ =	shalt  }
0x5b: {  	_ =	shalt  }
0x5c: {  	_ =	shalt  }
0x5d: {  	_ =	shalt  }
0x5e: {  	_ =	shalt  }
0x5f: {  	_ =	shalt  }
0x60: {  	_ =	shalt  }
0x61: {  	_ =	shalt  }
0x62: {  	_ =	shalt  }
0x63: {  	_ =	shalt  }
0x64: {  	_ =	shalt  }
0x65: {  	_ =	shalt  }
0x66: {  	_ =	shalt  }
0x67: {  	_ =	shalt  }
0x68: {  	_ =	shalt  }
0x69: {  	_ =	shalt  }
0x6a: {  	_ =	shalt  }
0x6b: {  	_ =	shalt  }
0x6c: {  	_ =	shalt  }
0x6d: {  	_ =	shalt  }
0x6e: {  	_ =	shalt  }
0x6f: {  	_ =	shalt  }
0x70: {  	_ =	shalt  }
0x71: {  	_ =	shalt  }
0x72: {  	_ =	shalt  }
0x73: {  	_ =	shalt  }
0x74: {  	_ =	shalt  }
0x75: {  	_ =	shalt  }
0x76: {  	_ =	shalt  }
0x77: {  	_ =	shalt  }
0x78: {  	_ =	shalt  }
0x79: {  	_ =	shalt  }
0x7a: {  	_ =	shalt  }
0x7b: {  	_ =	shalt  }
0x7c: {  	_ =	shalt  }
0x7d: {  	_ =	shalt  }
0x7e: {  	_ =	shalt  }
0x7f: {  	_ =	shalt  }
0x80: {  	_ =	shalt  }
0x81: {  	_ =	shalt  }
0x82: {  	_ =	shalt  }
0x83: {  	_ =	shalt  }
0x84: {  	_ =	shalt  }
0x85: {  	_ =	shalt  }
0x86: {  	_ =	shalt  }
0x87: {  	_ =	shalt  }
.Lfunc_end0:
.L_simem_size_0:
called_computation_lowered:
.L_overlay_start_0:
0x88: {  	s2 =	sld [smem:$0x3FD9]  }
0x89: {  	s3 =	sld [smem:$0x3FFE];
	_ =	sdelay $0x1  }
0x8a: {  	s1 =	srdreg.scid  }
0x8b: {  	s0 =	sand.u32 $0x1, s1  }
0x8c: {  	s17 =	sshll.u32 s0, $0xA;
	s2 =	sadd.s32 s3, s2  }
0x8d: {  	s2 =	sadd.s32 s2, s17  }
0x8e: {  	[smem:$0x3FC4] =	sst s2  }
0x8f: {  	_ = 	snop  }
0x90: {  	s2 =	sld [smem:$0x3FD0];
	(tm) =	ssettm $0x1  }
0x91: {  	s18 =	sld [smem:$0x3FFB];
	_ =	sdelay $0x3  }
0x92: {  	_ =	strace s18  }
0x93: {  	s3 =	sld [smem:$0x3FFC];
	_ =	sdelay $0x3  }
0x94: {  	_ =	strace s3  }
0x95: {  	s3 =	sld [smem:$0x3FFD];
	_ =	sdelay $0x3  }
0x96: {  	_ =	strace s3  }
0x97: {  	_ =	strace $0x8FFFFFFF  }
0x98: {  	s19 =	sld [smem:$0x3FDB];
	_ =	sdelay $0x1  }
0x99: {  	s4 =	simm.s32 $_scs_section_size  }
0x9a: {  	s5 =	simm.s32 $_size__tile_overlayer_lowered;
	s6 =	simm.s32 $_tile_overlayer_lowered  }
0x9b: {  	s22 =	simm.s32 $0x1BFF;
	s21 =	sshll.u32 s6, $0x1;
	s3 =	sadd.s32 s4, s19  }
0x9c: {  	s7 =	simm.s32 $0x0;
	s20 =	sshll.u32 s5, $0x1;
	s5 =	sadd.s32 s21, s3  }
0x9d: {  	[timem:s7], [sflag:s22] =	dma.local [hbm:s5], s20  }
0x9e: {  	_ =	swait.ge [sflag:s22], s20  }
0x9f: {  	s4 =	ssub.s32 $0x0, s20;
	[sflag:s22] =	ssyncset.done $0x0  }
0xa0: {  	[sflag:s22] =	ssyncadd.s32 s4;
	_ =	sdelay $0x1  }
0xa1: {  	s23 =	simm.s32 $0x1B8B  }
0xa2: {  	_ =	swait.ge [sflag:s23], $0x1  }
0xa3: {  	[sflag:s23] =	ssyncset.done $0x0  }
0xa4: {  	s25 =	simm.s32 $0x1B8E;
	s24 =	sld [smem:$0x3FFE];
	[sflag:s23] =	ssyncadd.s32 $0xFFFFFFFF  }
0xa5: {  	s26 =	simm.s32 $execute0_lowered;
	[smem:$0x3FD2] =	sst s25  }
0xa6: {  	s5 =	sshll.u32 s26, $0x1;
	_ =	strace $0x80000046;
	[dreg:$0x1] =	wrdreg $0xFFFFFFFF  }
0xa7: {  	s28 =	simm.s32 $_size_execute0_lowered;
	s3 =	sadd.s32 s3, s5;
	[dreg:$0x0] =	wrdreg $0x0  }
0xa8: {  	s5 =	sshll.u32 s28, $0x1;
	[dreg:$0x2] =	wrdreg s3  }
0xa9: {  	[dreg:$0x3] =	wrdreg s5  }
0xaa: {  	[dreg:$0x4] =	wrdreg $0xC0  }
0xab: {  	_ =	task [dreg:s7], $0x5FFFF  }
0xac: {  	[dreg:$0x1] =	wrdreg $0xFFFFFFFF  }
0xad: {  	[dreg:$0x0] =	wrdreg $0x60  }
0xae: {  	[dreg:$0x2] =	wrdreg s24  }
0xaf: {  	[dreg:$0x3] =	wrdreg s2  }
0xb0: {  	[dreg:$0x4] =	wrdreg $0x9  }
0xb1: {  	_ =	task.clear_ibuf [dreg:s7], $0x5FFFF;
	_ =	strace $0x90000046  }
0xb2: {  	s29 =	simm.s32 $0x9;
	_ =	strace $0x80000048  }
0xb3: {  	_ =	swait.ge [sflag:s29], $0x1  }
0xb4: {  	[sflag:s29] =	ssyncadd.s32 $0xFFFFFFFF  }
0xb5: {  	_ =	strace $0x90000048  }
0xb6: {  	_ =	sfence  }
0xb7: {  	s30 =	sld [smem:$0x0];
	_ =	sdelay $0x2  }
0xb8: {  	s31 =	sshll.u32 s1, $0xD;
	s1 =	sshrl.u32 s1, $0x2  }
0xb9: {  	s3 =	sand.u32 $0x4000, s31;
	s1 =	sadd.s32 s1, s30  }
0xba: {  	s0 =	sor.u32 s3, s0;
	s1 =	sshll.u32 s1, $0x11  }
0xbb: {  	s0 =	sor.u32 s1, s0  }
0xbc: {  	s0 =	sadd.s32 $0x8F2B, s0  }
0xbd: {  	[sflag:s0] =	ssyncadd.remote.s32 $0x1  }
0xbe: {  	_ =	sfence.sel $0xFFFF  }
0xbf: {  	[dreg:$0x0] =	wrdreg $0xFFFFFFFF;
	(pc) =	sbr.abs _section_cstart, $3  }
0xc0: {  	[dreg:$0x1] =	wrdreg $0xFFFFFFFF  }
0xc1: {  	_ =	task.clear_ibuf [dreg:s7], $0x2FFFF;
	_ =	strace $0x9FFFFFFF  }
0xc2: {  	(tm) =	ssettm $0x7FFFFFFF  }
0xc3: {  	_ =	shalt  }
tec
execute0_lowered:
.L_overlay_start_1:
0x0: {  	(tag) =	ssettag $0x1  }
0x1: {  	s0 =	rddreg [dreg:$0x0]  }
0x2: {  	s1 =	srdreg.scid;
	s8 =	stileid.u32  }
0x3: {  	s7 =	rddreg [dreg:$0x1];
	s2 =	simm.s32 $0x0;
	s12 =	simm.s32 $0xB  }
0x4: {  	s13 =	simm.s32 $0xA0;
	s14 =	simm.s32 $0x6400;
	s15 =	simm.s32 $0xB400  }
0x5: {  	s17 =	simm.s32 $0x10400;
	s19 =	simm.s32 $0x15400;
	s21 =	simm.s32 $0x1A400  }
0x6: {  	s22 =	simm.s32 $0x1;
	s23 =	simm.s32 $0x2;
	s28 =	simm.s32 $0x6  }
0x7: {  	s29 =	simm.s32 $0x7;
	s30 =	simm.s32 $0x8;
	s1 =	sand.u32 $0x1, s1  }
0x8: {  	s3 =	sshll.u32 s8, $0x1;
	[smem:$0x7FF] =	sst s2;
	s8 =	smul.u32 $0xC8000, s8  }
0x9: {  	s3 =	sor.u32 s1, s3;
	s5 =	ssub.s32 $0x2, s1;
	s1 =	smul.u32 $0x64000, s1  }
0xa: {  	s31 =	simm.s32 $0x9;
	_ =	strace $0x80000047;
	s4 =	smul.u32 $0x6400, s3  }
0xb: {  	s6 =	smul.u32 $0x320000, s3;
	s24 =	sshrl.u32 s5, $0x1;
	s9 =	sadd.s32 s8, s7  }
0xc: {  	s3 =	sadd.s32 $0x19800, s0;
	s10 =	ssub.s32 s5, s24;
	s1 =	sadd.s32 s1, s9  }
0xd: {  	s24 =	simm.s32 $0x3;
	s4 =	sshrl.u32 s4, $0x3;
	s25 =	sshrl.u32 s6, $0x3  }
0xe: {  	s10 =	smax.u32 s10, $0x1;
	s11 =	sadd.s32 $0x2800, s1;
	s1 =	simm.s32 $0xA  }
0xf: {  	s0 =	sadd.s32 s4, s0;
	s26 =	sadd.s32 s7, s25;
	s25 =	simm.s32 $0x4  }
0x10: {  	s0 =	sadd.s32 $0x800, s0;
	s5 =	sadd.s32 $0x60E00, s26;
	s6 =	sadd.s32 $0x61800, s26  }
0x11: {  	s7 =	sadd.s32 $0x62200, s26;
	s8 =	sadd.s32 $0x62C00, s26;
	s9 =	sadd.s32 $0x63600, s26  }
0x12: {  	s26 =	simm.s32 $0x5;
	[dreg:$0x3] =	wrdreg s0;
	s0 =	simm.s32 $0x0  }
.LBB2_1:
0x13: {  	s4 =	rddreg [dreg:$0x3]  }
0x14: {  	[tilespmem:s2], [sflag:$0xB] =	stream.linear.gather [hbm4b:s4+s2], $0x6400, $0x38;
	[tilespmem:$0x1F400] =	vst v63  }
0x15: {  	_ =	swait.ge [sflag:s12], $0x6400  }
0x16: {  	[sflag:s12] =	ssyncset.done $0x0  }
0x17: {  	[sflag:s12] =	ssyncadd.s32 $0xFFFF9C00  }
0x18: {  	[tilespmem:s14], [sflag:$0x1] =	stream.indirect.gather [hbm4b:s3+s13], $0x80, s2, s13, $0xb8;
	[tilespmem:$0x1F400] =	vst v63  }
0x19: {  	_ = 	snop  }
0x1a: {  	[tilespmem:s15], [sflag:$0x2] =	stream.indirect.gather [hbm4b:s3+s13], $0x80, s13, s13, $0xb8;
	[tilespmem:$0x1F400] =	vst v63  }
0x1b: {  	s20 =	simm.s32 $0x140  }
0x1c: {  	[tilespmem:s17], [sflag:$0x3] =	stream.indirect.gather [hbm4b:s3+s13], $0x80, s20, s13, $0xb8;
	[tilespmem:$0x1F400] =	vst v63  }
0x1d: {  	s16 =	simm.s32 $0x1E0  }
0x1e: {  	[tilespmem:s19], [sflag:$0x4] =	stream.indirect.gather [hbm4b:s3+s13], $0x80, s16, s13, $0xb8;
	[tilespmem:$0x1F400] =	vst v63  }
0x1f: {  	s18 =	simm.s32 $0x280  }
0x20: {  	[tilespmem:s21], [sflag:$0x5] =	stream.indirect.gather [hbm4b:s3+s13], $0x80, s18, s13, $0xb8;
	[tilespmem:$0x1F400] =	vst v63  }
0x21: {  	_ =	swait.ge [sflag:s22], $0x5000  }
0x22: {  	[sflag:s22] =	ssyncset.done $0x0  }
0x23: {  	s16 =	sadd.s32 $0xFFFFD800, s11;
	[sflag:s22] =	ssyncadd.s32 $0xFFFFB000  }
0x24: {  	[hbm4b:s16+s2] =	stream.linear.scatter [tilespmem:s14], [sflag:$0x6], $0x5000, $0x38;
	[tilespmem:$0x1F400] =	vst v63  }
0x25: {  	_ =	swait.ge [sflag:s23], $0x5000  }
0x26: {  	[sflag:s23] =	ssyncset.done $0x0  }
0x27: {  	s20 =	sadd.s32 $0xFFFFE200, s11;
	[sflag:s23] =	ssyncadd.s32 $0xFFFFB000  }
0x28: {  	[hbm4b:s20+s2] =	stream.linear.scatter [tilespmem:s15], [sflag:$0x7], $0x5000, $0x38;
	[tilespmem:$0x1F400] =	vst v63  }
0x29: {  	_ =	swait.ge [sflag:s24], $0x5000  }
0x2a: {  	[sflag:s24] =	ssyncset.done $0x0  }
0x2b: {  	s4 =	sadd.s32 $0xFFFFEC00, s11;
	[sflag:s24] =	ssyncadd.s32 $0xFFFFB000  }
0x2c: {  	[hbm4b:s4+s2] =	stream.linear.scatter [tilespmem:s17], [sflag:$0x8], $0x5000, $0x38;
	[tilespmem:$0x1F400] =	vst v63  }
0x2d: {  	_ =	swait.ge [sflag:s25], $0x5000  }
0x2e: {  	[sflag:s25] =	ssyncset.done $0x0  }
0x2f: {  	s18 =	sadd.s32 $0xFFFFF600, s11;
	[sflag:s25] =	ssyncadd.s32 $0xFFFFB000  }
0x30: {  	[hbm4b:s18+s2] =	stream.linear.scatter [tilespmem:s19], [sflag:$0x9], $0x5000, $0x38;
	[tilespmem:$0x1F400] =	vst v63  }
0x31: {  	_ =	swait.ge [sflag:s26], $0x5000  }
0x32: {  	[sflag:s26] =	ssyncset.done $0x0  }
0x33: {  	[sflag:s26] =	ssyncadd.s32 $0xFFFFB000  }
0x34: {  	[hbm4b:s11+s2] =	stream.linear.scatter [tilespmem:s21], [sflag:$0xA], $0x5000, $0x38;
	[tilespmem:$0x1F400] =	vst v63  }
0x35: {  	_ =	swait.ge [sflag:s28], $0x5000  }
0x36: {  	[sflag:s28] =	ssyncset.done $0x0  }
0x37: {  	s20 =	simm.s32 $0x320;
	[sflag:s28] =	ssyncadd.s32 $0xFFFFB000  }
0x38: {  	[tilespmem:s14], [sflag:$0x1] =	stream.indirect.gather [hbm4b:s3+s13], $0x80, s20, s13, $0xb8;
	[tilespmem:$0x1F400] =	vst v63  }
0x39: {  	_ =	swait.ge [sflag:s29], $0x5000  }
0x3a: {  	[sflag:s29] =	ssyncset.done $0x0  }
0x3b: {  	s4 =	simm.s32 $0x3C0;
	[sflag:s29] =	ssyncadd.s32 $0xFFFFB000  }
0x3c: {  	[tilespmem:s15], [sflag:$0x2] =	stream.indirect.gather [hbm4b:s3+s13], $0x80, s4, s13, $0xb8;
	[tilespmem:$0x1F400] =	vst v63  }
0x3d: {  	_ =	swait.ge [sflag:s30], $0x5000  }
0x3e: {  	[sflag:s30] =	ssyncset.done $0x0  }
0x3f: {  	s18 =	simm.s32 $0x460;
	[sflag:s30] =	ssyncadd.s32 $0xFFFFB000  }
0x40: {  	[tilespmem:s17], [sflag:$0x3] =	stream.indirect.gather [hbm4b:s3+s13], $0x80, s18, s13, $0xb8;
	[tilespmem:$0x1F400] =	vst v63  }
0x41: {  	_ =	swait.ge [sflag:s31], $0x5000  }
0x42: {  	[sflag:s31] =	ssyncset.done $0x0  }
0x43: {  	s20 =	simm.s32 $0x500;
	[sflag:s31] =	ssyncadd.s32 $0xFFFFB000  }
0x44: {  	[tilespmem:s19], [sflag:$0x4] =	stream.indirect.gather [hbm4b:s3+s13], $0x80, s20, s13, $0xb8;
	[tilespmem:$0x1F400] =	vst v63  }
0x45: {  	_ =	swait.ge [sflag:s1], $0x5000  }
0x46: {  	s16 =	simm.s32 $0xC80;
	[sflag:s1] =	ssyncset.done $0x0  }
0x47: {  	s18 =	sadd.s32 $0x3200, s11;
	s20 =	simm.s32 $0x5A0;
	[sflag:s1] =	ssyncadd.s32 $0xFFFFB000  }
.LBB2_2:
0x48: {  	[tilespmem:s21], [sflag:$0x5] =	stream.indirect.gather [hbm4b:s3+s13], $0x80, s20, s13, $0xb8;
	[tilespmem:$0x1F400] =	vst v63  }
0x49: {  	s20 =	smov.u32 s16  }
0x4a: {  	p0 =	sne.s32 s16, $0x17700;
	s16 =	sadd.s32 $0xC80, s16;
	_ =	swait.ge [sflag:s22], $0x5000  }
0x4b: {  	[sflag:s22] =	ssyncset.done $0x0  }
0x4c: {  	s4 =	sadd.s32 $0xFFFFD800, s18;
	[sflag:s22] =	ssyncadd.s32 $0xFFFFB000  }
0x4d: {  	[hbm4b:s4+s2] =	stream.linear.scatter [tilespmem:s14], [sflag:$0x6], $0x5000, $0x38;
	[tilespmem:$0x1F400] =	vst v63  }
0x4e: {  	_ =	swait.ge [sflag:s23], $0x5000  }
0x4f: {  	[sflag:s23] =	ssyncset.done $0x0  }
0x50: {  	s4 =	sadd.s32 $0xFFFFE200, s18;
	[sflag:s23] =	ssyncadd.s32 $0xFFFFB000  }
0x51: {  	[hbm4b:s4+s2] =	stream.linear.scatter [tilespmem:s15], [sflag:$0x7], $0x5000, $0x38;
	[tilespmem:$0x1F400] =	vst v63  }
0x52: {  	_ =	swait.ge [sflag:s24], $0x5000  }
0x53: {  	[sflag:s24] =	ssyncset.done $0x0  }
0x54: {  	s4 =	sadd.s32 $0xFFFFEC00, s18;
	[sflag:s24] =	ssyncadd.s32 $0xFFFFB000  }
0x55: {  	[hbm4b:s4+s2] =	stream.linear.scatter [tilespmem:s17], [sflag:$0x8], $0x5000, $0x38;
	[tilespmem:$0x1F400] =	vst v63  }
0x56: {  	_ =	swait.ge [sflag:s25], $0x5000  }
0x57: {  	[sflag:s25] =	ssyncset.done $0x0  }
0x58: {  	s4 =	sadd.s32 $0xFFFFF600, s18;
	[sflag:s25] =	ssyncadd.s32 $0xFFFFB000  }
0x59: {  	[hbm4b:s4+s2] =	stream.linear.scatter [tilespmem:s19], [sflag:$0x9], $0x5000, $0x38;
	[tilespmem:$0x1F400] =	vst v63  }
0x5a: {  	_ =	swait.ge [sflag:s26], $0x5000  }
0x5b: {  	[sflag:s26] =	ssyncset.done $0x0  }
0x5c: {  	[sflag:s26] =	ssyncadd.s32 $0xFFFFB000  }
0x5d: {  	[hbm4b:s18+s2] =	stream.linear.scatter [tilespmem:s21], [sflag:$0xA], $0x5000, $0x38;
	[tilespmem:$0x1F400] =	vst v63  }
0x5e: {  	_ =	swait.ge [sflag:s28], $0x5000  }
0x5f: {  	s4 =	sshra.s32 s20, $0x2;
	[sflag:s28] =	ssyncset.done $0x0  }
0x60: {  	s20 =	sadd.s32 $0x320, s4;
	[sflag:s28] =	ssyncadd.s32 $0xFFFFB000  }
0x61: {  	[tilespmem:s14], [sflag:$0x1] =	stream.indirect.gather [hbm4b:s3+s13], $0x80, s20, s13, $0xb8;
	[tilespmem:$0x1F400] =	vst v63  }
0x62: {  	_ =	swait.ge [sflag:s29], $0x5000  }
0x63: {  	[sflag:s29] =	ssyncset.done $0x0  }
0x64: {  	s20 =	sadd.s32 $0x3C0, s4;
	[sflag:s29] =	ssyncadd.s32 $0xFFFFB000  }
0x65: {  	[tilespmem:s15], [sflag:$0x2] =	stream.indirect.gather [hbm4b:s3+s13], $0x80, s20, s13, $0xb8;
	[tilespmem:$0x1F400] =	vst v63  }
0x66: {  	_ =	swait.ge [sflag:s30], $0x5000  }
0x67: {  	[sflag:s30] =	ssyncset.done $0x0  }
0x68: {  	s20 =	sadd.s32 $0x460, s4;
	[sflag:s30] =	ssyncadd.s32 $0xFFFFB000  }
0x69: {  	[tilespmem:s17], [sflag:$0x3] =	stream.indirect.gather [hbm4b:s3+s13], $0x80, s20, s13, $0xb8;
	[tilespmem:$0x1F400] =	vst v63  }
0x6a: {  	_ =	swait.ge [sflag:s31], $0x5000  }
0x6b: {  	[sflag:s31] =	ssyncset.done $0x0  }
.Ltmp0:
0x6c: {  	s20 =	sadd.s32 $0x500, s4;
	[sflag:s31] =	ssyncadd.s32 $0xFFFFB000;
	(pc) =	sbr.rel @p0 .LBB2_2-.Ltmp0, $4  }
0x6d: {  	[tilespmem:s19], [sflag:$0x4] =	stream.indirect.gather [hbm4b:s3+s13], $0x80, s20, s13, $0xb8;
	[tilespmem:$0x1F400] =	vst v63  }
0x6e: {  	_ =	swait.ge [sflag:s1], $0x5000  }
0x6f: {  	[sflag:s1] =	ssyncset.done $0x0  }
0x70: {  	s18 =	sadd.s32 $0x3200, s18;
	s20 =	sadd.s32 $0x5A0, s4;
	[sflag:s1] =	ssyncadd.s32 $0xFFFFB000  }
0x71: {  	[tilespmem:s21], [sflag:$0x5] =	stream.indirect.gather [hbm4b:s3+s13], $0x80, s20, s13, $0xb8;
	[tilespmem:$0x1F400] =	vst v63  }
0x72: {  	_ =	swait.ge [sflag:s22], $0x5000  }
0x73: {  	[sflag:s22] =	ssyncset.done $0x0  }
0x74: {  	[sflag:s22] =	ssyncadd.s32 $0xFFFFB000  }
0x75: {  	[hbm4b:s5+s2] =	stream.linear.scatter [tilespmem:s14], [sflag:$0x6], $0x5000, $0x38;
	[tilespmem:$0x1F400] =	vst v63  }
0x76: {  	_ =	swait.ge [sflag:s23], $0x5000  }
0x77: {  	[sflag:s23] =	ssyncset.done $0x0  }
0x78: {  	[sflag:s23] =	ssyncadd.s32 $0xFFFFB000  }
0x79: {  	[hbm4b:s6+s2] =	stream.linear.scatter [tilespmem:s15], [sflag:$0x7], $0x5000, $0x38;
	[tilespmem:$0x1F400] =	vst v63  }
0x7a: {  	_ =	swait.ge [sflag:s24], $0x5000  }
0x7b: {  	[sflag:s24] =	ssyncset.done $0x0  }
0x7c: {  	[sflag:s24] =	ssyncadd.s32 $0xFFFFB000  }
0x7d: {  	[hbm4b:s7+s2] =	stream.linear.scatter [tilespmem:s17], [sflag:$0x8], $0x5000, $0x38;
	[tilespmem:$0x1F400] =	vst v63  }
0x7e: {  	_ =	swait.ge [sflag:s25], $0x5000  }
0x7f: {  	[sflag:s25] =	ssyncset.done $0x0  }
0x80: {  	[sflag:s25] =	ssyncadd.s32 $0xFFFFB000  }
0x81: {  	[hbm4b:s8+s2] =	stream.linear.scatter [tilespmem:s19], [sflag:$0x9], $0x5000, $0x38;
	[tilespmem:$0x1F400] =	vst v63  }
0x82: {  	_ =	swait.ge [sflag:s26], $0x5000  }
0x83: {  	[sflag:s26] =	ssyncset.done $0x0  }
0x84: {  	[sflag:s26] =	ssyncadd.s32 $0xFFFFB000  }
0x85: {  	[hbm4b:s9+s2] =	stream.linear.scatter [tilespmem:s21], [sflag:$0xA], $0x5000, $0x38;
	[tilespmem:$0x1F400] =	vst v63  }
0x86: {  	_ =	swait.ge [sflag:s28], $0x5000  }
0x87: {  	[sflag:s28] =	ssyncset.done $0x0  }
0x88: {  	[sflag:s28] =	ssyncadd.s32 $0xFFFFB000  }
0x89: {  	_ =	swait.ge [sflag:s29], $0x5000  }
0x8a: {  	[sflag:s29] =	ssyncset.done $0x0  }
0x8b: {  	[sflag:s29] =	ssyncadd.s32 $0xFFFFB000  }
0x8c: {  	_ =	swait.ge [sflag:s30], $0x5000  }
0x8d: {  	[sflag:s30] =	ssyncset.done $0x0  }
0x8e: {  	s0 =	sadd.s32 $0x1, s0;
	[sflag:s30] =	ssyncadd.s32 $0xFFFFB000  }
0x8f: {  	p0 =	sne.s32 s0, s10;
	_ =	swait.ge [sflag:s31], $0x5000  }
.Ltmp1:
0x90: {  	[sflag:s31] =	ssyncset.done $0x0;
	(pc) =	sbr.rel @p0 .LBB2_1-.Ltmp1, $4  }
0x91: {  	[sflag:s31] =	ssyncadd.s32 $0xFFFFB000  }
0x92: {  	_ =	swait.ge [sflag:s1], $0x5000  }
0x93: {  	[sflag:s1] =	ssyncset.done $0x0  }
0x94: {  	[sflag:s1] =	ssyncadd.s32 $0xFFFFB000  }
0x95: {  	_ =	sfence.sel $0x180000  }
0x96: {  	[bflag:$0x0] =	sbarrier.arrive $0xFFFF  }
0x97: {  	_ =	strace $0x90000047  }
0x98: {  	s0 =	stileid.u32;
	[bflag:$0x2] =	sbarrier.arrive $0xFFFF  }
0x99: {  	p0 =	sne.s32 s0, $0x0;
	s0 =	rddreg [dreg:$0x2]  }
0x9a: {  	s0 =	sadd.s32 @!p0 $0x100000, s0  }
0x9b: {  	[sflag:s0] =	ssyncadd.tile.s32 @!p0 $0x1;
	_ =	shalt  }
.Lfunc_end2:
_tile_overlayer_lowered:
.L_overlay_start_2:
0x9c: {  	(tag) =	ssettag $0x2  }
0x9d: {  	s0 =	rddreg [dreg:$0x0];
	s2 =	stileid.u32  }
0x9e: {  	s1 =	rddreg [dreg:$0x1];
	p0 =	sne.s32 s2, $0x0  }
0x9f: {  	s3 =	rddreg [dreg:$0x2];
	[bflag:$0x3] =	sbarrier.arrive $0xFFFF;
	s2 =	simm.s32 @!p0 $0x1C0B  }
0xa0: {  	[timem:s3], [sflag:s2] =	dma.local @!p0 [hbm:s0], s1  }
0xa1: {  	s0 =	simm.s32 @!p0 $0xB  }
0xa2: {  	_ =	swait.ge @!p0 [sflag:s0], s1  }
0xa3: {  	s1 =	ssub.s32 @!p0 $0x0, s1;
	[sflag:s0] =	ssyncset.done @!p0 $0x0  }
0xa4: {  	[sflag:s0] =	ssyncadd.s32 @!p0 s1  }
0xa5: {  	[bflag:$0x3] =	sbarrier.arrive $0xFFFF  }
0xa6: {  	_ =	shalt  }

</sc_bundles>
